<compile_context>
chip_gen: v7x
topology: tpu7x:2x2x1
jax: 0.10.2.dev20260603
libtpu: 0.0.44.dev20260713+nightly
codegen_flags: <defaults>
</compile_context>

<pallas_src>
import functools

import jax
import jax.numpy as jnp
from jax import lax
from jax.experimental import pallas as pl
from jax.experimental.pallas import tpu as pltpu
from jax.experimental.pallas import tpu_sc as plsc

_NC = 2
_NS = 16
_L = 16

_CHUNK = 128
_BLK = 131072


@functools.lru_cache(maxsize=None)
def _make_tc_matvec(E, V):
    grid = (V + _BLK - 1) // _BLK

    def body(tab_ref, w_ref, z_ref):
        z_ref[...] = jnp.sum(tab_ref[...] * w_ref[...], axis=0)

    return pl.pallas_call(
        body,
        grid=(grid,),
        in_specs=[
            pl.BlockSpec((E, _BLK), lambda j: (0, j)),
            pl.BlockSpec((E, 1), lambda j: (0, 0)),
        ],
        out_specs=pl.BlockSpec((_BLK,), lambda j: (j,)),
        out_shape=jax.ShapeDtypeStruct((V,), jnp.float32),
        compiler_params=pltpu.CompilerParams(disable_bounds_checks=True),
    )


@functools.lru_cache(maxsize=None)
def _make_sc_gather(B, V):
    NW = _NC * _NS
    bpw = B // NW
    nchunk = bpw // _CHUNK
    ngroups = _CHUNK // _L
    mesh = plsc.VectorSubcoreMesh(core_axis_name="c", subcore_axis_name="s")

    @functools.partial(
        pl.kernel,
        mesh=mesh,
        compiler_params=pltpu.CompilerParams(
            needs_layout_passes=False,
            use_tc_tiling_on_sc=False,
            skip_device_barrier=True,
            disable_bounds_checks=True,
            disable_semaphore_checks=True,
        ),
        out_type=jax.ShapeDtypeStruct((B,), jnp.float32),
        scratch_types=[
            pltpu.VMEM((nchunk, _CHUNK), jnp.int32),
            pltpu.VMEM((bpw,), jnp.float32),
            pltpu.VMEM((bpw,), jnp.float32),
            pltpu.VMEM((bpw,), jnp.float32),
            pltpu.VMEM((_L,), jnp.float32),
            pltpu.VMEM((_L,), jnp.float32),
            pltpu.SemaphoreType.DMA,
            pltpu.SemaphoreType.DMA,
        ],
    )
    def sc_kernel(z_hbm, x_hbm, c_hbm, lw_hbm, lb_hbm, out_hbm,
                  idx_v, zg_v, x_v, out_v, w_v, b_v, sem, sem2):
        wid = lax.axis_index("s") * _NC + lax.axis_index("c")
        base = wid * bpw

        pltpu.sync_copy(c_hbm.at[pl.ds(wid * nchunk, nchunk), :], idx_v)
        cp_x = pltpu.async_copy(x_hbm.at[pl.ds(base, bpw)], x_v, sem2)
        cp_w = pltpu.async_copy(lw_hbm.at[pl.ds(0, _L)], w_v, sem2)
        cp_b = pltpu.async_copy(lb_hbm, b_v.at[pl.ds(0, 1)], sem2)

        copies = []
        for j in range(nchunk):
            copies.append(
                pltpu.async_copy(
                    z_hbm.at[idx_v.at[j]],
                    zg_v.at[pl.ds(j * _CHUNK, _CHUNK)],
                    sem,
                )
            )

        cp_x.wait()
        cp_w.wait()
        cp_b.wait()
        wx = w_v[pl.ds(0, _L)][0]
        bb = b_v[pl.ds(0, _L)][0]

        def group(g, carry):
            sl = pl.ds(g * _L, _L)
            out_v[sl] = zg_v[sl] + x_v[sl] * wx + bb
            return carry

        for j in range(nchunk):
            copies[j].wait()
            lax.fori_loop(j * ngroups, (j + 1) * ngroups, group, 0)

        pltpu.sync_copy(out_v, out_hbm.at[pl.ds(base, bpw)])

    return sc_kernel


def kernel(x, c, emb_table, lin_w, lin_b):
    B = x.shape[0]
    V, E = emb_table.shape
    xf = x.reshape(B).astype(jnp.float32)
    c2d = c.astype(jnp.int32).reshape(B // _CHUNK, _CHUNK)
    w_col = lin_w[0, 1:].reshape(E, 1)
    lw17 = lin_w.reshape(E + 1)
    z = _make_tc_matvec(E, V)(emb_table.T, w_col)
    out = _make_sc_gather(B, V)(z, xf, c2d, lw17, lin_b)
    return out.reshape(B, 1)

# --- scband reference (transcript-rebuilt; emitter-appended) ---
"""Pipeline reference for scband-linear-regression-with-embedding-18700287607606 (READ-ONLY COPY).

The authoritative reference and input builder live on the scoring server;
editing this copy changes nothing except your own understanding.
"""

import jax, jax.numpy as jnp
import numpy as np

N_LANDCOVERS = 1000000
EMBED = 16
OUT = 1
BATCH = 16384

def setup_inputs(seed: int = 0) -> dict:
    key = jax.random.key(seed)
    k1, k2, k3, k4, k5 = jax.random.split(key, 5)
    x = jax.random.normal(k1, (BATCH, 1), dtype=jnp.float32)
    c = jax.random.randint(k2, (BATCH,), 0, N_LANDCOVERS, dtype=jnp.int64)
    emb_table = jax.random.normal(k3, (N_LANDCOVERS, EMBED), dtype=jnp.float32)
    lin_w = jax.random.normal(k4, (OUT, EMBED + 1), dtype=jnp.float32) * (1.0 / np.sqrt(EMBED + 1))
    lin_b = jax.random.normal(k5, (OUT,), dtype=jnp.float32) * 0.01
    return {"x": x, "c": c, "emb_table": emb_table, "lin_w": lin_w, "lin_b": lin_b}

def reference(x, c, emb_table, lin_w, lin_b):
    emb = jnp.take(emb_table, c, axis=0)
    xc = jnp.concatenate([x, emb], axis=1)
    out = xc @ lin_w.T + lin_b
    return out

if __name__ == "__main__":
    import jax
    _d = setup_inputs()
    print(jax.jit(kernel)(*tuple(_d.values())))

</pallas_src>

<mosaic_0001>
#map = affine_map<(d0, d1) -> (0)>
#map1 = affine_map<(d0, d1) -> (0, 0)>
module attributes {stable_mosaic.version = 14 : i64} {
  func.func @sc_kernel(%arg0: i32, %arg1: i32, %arg2: memref<1000000xf32, #tpu.memory_space<hbm>>, %arg3: memref<16384xf32, #tpu.memory_space<hbm>>, %arg4: memref<128x128xi32, #tpu.memory_space<hbm>>, %arg5: memref<17xf32, #tpu.memory_space<hbm>>, %arg6: memref<1xf32, #tpu.memory_space<hbm>>, %arg7: memref<16384xf32, #tpu.memory_space<hbm>>, %arg8: memref<4x128xi32, #tpu.memory_space<vmem>>, %arg9: memref<512xf32, #tpu.memory_space<vmem>>, %arg10: memref<512xf32, #tpu.memory_space<vmem>>, %arg11: memref<512xf32, #tpu.memory_space<vmem>>, %arg12: memref<16xf32, #tpu.memory_space<vmem>>, %arg13: memref<16xf32, #tpu.memory_space<vmem>>, %arg14: memref<!tpu.dma_semaphore, #tpu.memory_space<semaphore_mem>>, %arg15: memref<!tpu.dma_semaphore, #tpu.memory_space<semaphore_mem>>) attributes {dimension_semantics = [#tpu.dimension_semantics<core_parallel>, #tpu.dimension_semantics<subcore_parallel>], iteration_bounds = array<i64: 2, 16>, scalar_prefetch = 0 : i64, scratch_operands = 8 : i64, tpu.core_type = #tpu.core_type<sc_vector_subcore>, window_params = [{transform_indices = #map}, {transform_indices = #map}, {transform_indices = #map1}, {transform_indices = #map}, {transform_indices = #map}, {transform_indices = #map}]} {
    %mul3A = arith.constant 2 : i32
    %mul3A_0 = arith.muli %arg1, %mul3A : i32
    %add3A = arith.addi %mul3A_0, %arg0 : i32
    %mul3A_1 = arith.constant 512 : i32
    %mul3A_2 = arith.muli %add3A, %mul3A_1 : i32
    %mul3A_3 = arith.constant 4 : i32
    %mul3A_4 = arith.muli %add3A, %mul3A_3 : i32
    "tpu.region"() ({
      %run_scoped3A = tpu.sem_alloc : memref<!tpu.dma_semaphore, #tpu.memory_space<semaphore_mem>>
      %dma_start3A_115 = arith.constant 0 : i32
      %dma_start3A_116 = tpu.memref_slice %arg4[%mul3A_4, %dma_start3A_115] : memref<128x128xi32, #tpu.memory_space<hbm>> -> memref<4x128xi32, #tpu.memory_space<hbm>>
      %dma_start3A_117 = arith.constant 0 : i32
      %dma_start3A_118 = tpu.memref_slice %arg4[%mul3A_4, %dma_start3A_117] : memref<128x128xi32, #tpu.memory_space<hbm>> -> memref<4x128xi32, #tpu.memory_space<hbm>>
      tpu.enqueue_dma source(%dma_start3A_118 : memref<4x128xi32, #tpu.memory_space<hbm>>) target(%arg8 : memref<4x128xi32, #tpu.memory_space<vmem>>) target_semaphore(%run_scoped3A : memref<!tpu.dma_semaphore, #tpu.memory_space<semaphore_mem>>)
      %dma_wait3A_119 = arith.constant 0 : i32
      %dma_wait3A_120 = tpu.memref_slice %arg4[%mul3A_4, %dma_wait3A_119] : memref<128x128xi32, #tpu.memory_space<hbm>> -> memref<4x128xi32, #tpu.memory_space<hbm>>
      %dma_wait3A_121 = arith.constant 0 : i32
      %dma_wait3A_122 = tpu.memref_slice %arg4[%mul3A_4, %dma_wait3A_121] : memref<128x128xi32, #tpu.memory_space<hbm>> -> memref<4x128xi32, #tpu.memory_space<hbm>>
      tpu.wait_dma2 semaphore(%run_scoped3A : memref<!tpu.dma_semaphore, #tpu.memory_space<semaphore_mem>>) src(%dma_wait3A_122 : memref<4x128xi32, #tpu.memory_space<hbm>>) dst(%arg8 : memref<4x128xi32, #tpu.memory_space<vmem>>)
      tpu.yield
    }) : () -> ()
    %dma_start3A = tpu.memref_slice %arg3[%mul3A_2] : memref<16384xf32, #tpu.memory_space<hbm>> -> memref<512xf32, #tpu.memory_space<hbm>>
    %dma_start3A_5 = tpu.memref_slice %arg3[%mul3A_2] : memref<16384xf32, #tpu.memory_space<hbm>> -> memref<512xf32, #tpu.memory_space<hbm>>
    tpu.enqueue_dma source(%dma_start3A_5 : memref<512xf32, #tpu.memory_space<hbm>>) target(%arg10 : memref<512xf32, #tpu.memory_space<vmem>>) target_semaphore(%arg15 : memref<!tpu.dma_semaphore, #tpu.memory_space<semaphore_mem>>)
    %dma_start3A_6 = arith.constant 0 : i32
    %dma_start3A_7 = tpu.memref_slice %arg5[%dma_start3A_6] : memref<17xf32, #tpu.memory_space<hbm>> -> memref<16xf32, #tpu.memory_space<hbm>>
    %dma_start3A_8 = arith.constant 0 : i32
    %dma_start3A_9 = tpu.memref_slice %arg5[%dma_start3A_8] : memref<17xf32, #tpu.memory_space<hbm>> -> memref<16xf32, #tpu.memory_space<hbm>>
    tpu.enqueue_dma source(%dma_start3A_9 : memref<16xf32, #tpu.memory_space<hbm>>) target(%arg12 : memref<16xf32, #tpu.memory_space<vmem>>) target_semaphore(%arg15 : memref<!tpu.dma_semaphore, #tpu.memory_space<semaphore_mem>>)
    %dma_start3A_10 = arith.constant 0 : i32
    %dma_start3A_11 = tpu.memref_slice %arg13[%dma_start3A_10] : memref<16xf32, #tpu.memory_space<vmem>> -> memref<1xf32, #tpu.memory_space<vmem>>
    %dma_start3A_12 = arith.constant 0 : i32
    %dma_start3A_13 = tpu.memref_slice %arg13[%dma_start3A_12] : memref<16xf32, #tpu.memory_space<vmem>> -> memref<1xf32, #tpu.memory_space<vmem>>
    tpu.enqueue_dma source(%arg6 : memref<1xf32, #tpu.memory_space<hbm>>) target(%dma_start3A_13 : memref<1xf32, #tpu.memory_space<vmem>>) target_semaphore(%arg15 : memref<!tpu.dma_semaphore, #tpu.memory_space<semaphore_mem>>)
    %dma_start3A_14 = arith.constant 0 : i32
    %dma_start3A_15 = arith.constant 0 : i32
    %dma_start3A_16 = tpu.memref_slice %arg9[%dma_start3A_15] : memref<512xf32, #tpu.memory_space<vmem>> -> memref<128xf32, #tpu.memory_space<vmem>>
    %dma_start3A_17 = arith.constant 0 : i32
    %dma_start3A_18 = tpu.memref_slice %arg8[%dma_start3A_14, %dma_start3A_17] : memref<4x128xi32, #tpu.memory_space<vmem>> -> memref<1x128xi32, #tpu.memory_space<vmem>>
    %dma_start3A_19 = tpu.memref_squeeze %dma_start3A_18 : memref<1x128xi32, #tpu.memory_space<vmem>> -> memref<128xi32, #tpu.memory_space<vmem>>
    %dma_start3A_20 = arith.constant 0 : i32
    %dma_start3A_21 = tpu.memref_slice %arg2[%dma_start3A_20] : memref<1000000xf32, #tpu.memory_space<hbm>> -> memref<1000000xf32, #tpu.memory_space<hbm>>
    tpu.enqueue_indirect_dma source(%dma_start3A_21 : memref<1000000xf32, #tpu.memory_space<hbm>>) target(%dma_start3A_16 : memref<128xf32, #tpu.memory_space<vmem>>) offsets(%dma_start3A_19 : memref<128xi32, #tpu.memory_space<vmem>>) semaphore(%arg14 : memref<!tpu.dma_semaphore, #tpu.memory_space<semaphore_mem>>)
    %dma_start3A_22 = arith.constant 1 : i32
    %dma_start3A_23 = arith.constant 128 : i32
    %dma_start3A_24 = tpu.memref_slice %arg9[%dma_start3A_23] : memref<512xf32, #tpu.memory_space<vmem>> -> memref<128xf32, #tpu.memory_space<vmem>>
    %dma_start3A_25 = arith.constant 0 : i32
    %dma_start3A_26 = tpu.memref_slice %arg8[%dma_start3A_22, %dma_start3A_25] : memref<4x128xi32, #tpu.memory_space<vmem>> -> memref<1x128xi32, #tpu.memory_space<vmem>>
    %dma_start3A_27 = tpu.memref_squeeze %dma_start3A_26 : memref<1x128xi32, #tpu.memory_space<vmem>> -> memref<128xi32, #tpu.memory_space<vmem>>
    %dma_start3A_28 = arith.constant 0 : i32
    %dma_start3A_29 = tpu.memref_slice %arg2[%dma_start3A_28] : memref<1000000xf32, #tpu.memory_space<hbm>> -> memref<1000000xf32, #tpu.memory_space<hbm>>
    tpu.enqueue_indirect_dma source(%dma_start3A_29 : memref<1000000xf32, #tpu.memory_space<hbm>>) target(%dma_start3A_24 : memref<128xf32, #tpu.memory_space<vmem>>) offsets(%dma_start3A_27 : memref<128xi32, #tpu.memory_space<vmem>>) semaphore(%arg14 : memref<!tpu.dma_semaphore, #tpu.memory_space<semaphore_mem>>)
    %dma_start3A_30 = arith.constant 2 : i32
    %dma_start3A_31 = arith.constant 256 : i32
    %dma_start3A_32 = tpu.memref_slice %arg9[%dma_start3A_31] : memref<512xf32, #tpu.memory_space<vmem>> -> memref<128xf32, #tpu.memory_space<vmem>>
    %dma_start3A_33 = arith.constant 0 : i32
    %dma_start3A_34 = tpu.memref_slice %arg8[%dma_start3A_30, %dma_start3A_33] : memref<4x128xi32, #tpu.memory_space<vmem>> -> memref<1x128xi32, #tpu.memory_space<vmem>>
    %dma_start3A_35 = tpu.memref_squeeze %dma_start3A_34 : memref<1x128xi32, #tpu.memory_space<vmem>> -> memref<128xi32, #tpu.memory_space<vmem>>
    %dma_start3A_36 = arith.constant 0 : i32
    %dma_start3A_37 = tpu.memref_slice %arg2[%dma_start3A_36] : memref<1000000xf32, #tpu.memory_space<hbm>> -> memref<1000000xf32, #tpu.memory_space<hbm>>
    tpu.enqueue_indirect_dma source(%dma_start3A_37 : memref<1000000xf32, #tpu.memory_space<hbm>>) target(%dma_start3A_32 : memref<128xf32, #tpu.memory_space<vmem>>) offsets(%dma_start3A_35 : memref<128xi32, #tpu.memory_space<vmem>>) semaphore(%arg14 : memref<!tpu.dma_semaphore, #tpu.memory_space<semaphore_mem>>)
    %dma_start3A_38 = arith.constant 3 : i32
    %dma_start3A_39 = arith.constant 384 : i32
    %dma_start3A_40 = tpu.memref_slice %arg9[%dma_start3A_39] : memref<512xf32, #tpu.memory_space<vmem>> -> memref<128xf32, #tpu.memory_space<vmem>>
    %dma_start3A_41 = arith.constant 0 : i32
    %dma_start3A_42 = tpu.memref_slice %arg8[%dma_start3A_38, %dma_start3A_41] : memref<4x128xi32, #tpu.memory_space<vmem>> -> memref<1x128xi32, #tpu.memory_space<vmem>>
    %dma_start3A_43 = tpu.memref_squeeze %dma_start3A_42 : memref<1x128xi32, #tpu.memory_space<vmem>> -> memref<128xi32, #tpu.memory_space<vmem>>
    %dma_start3A_44 = arith.constant 0 : i32
    %dma_start3A_45 = tpu.memref_slice %arg2[%dma_start3A_44] : memref<1000000xf32, #tpu.memory_space<hbm>> -> memref<1000000xf32, #tpu.memory_space<hbm>>
    tpu.enqueue_indirect_dma source(%dma_start3A_45 : memref<1000000xf32, #tpu.memory_space<hbm>>) target(%dma_start3A_40 : memref<128xf32, #tpu.memory_space<vmem>>) offsets(%dma_start3A_43 : memref<128xi32, #tpu.memory_space<vmem>>) semaphore(%arg14 : memref<!tpu.dma_semaphore, #tpu.memory_space<semaphore_mem>>)
    %dma_wait3A = tpu.memref_slice %arg3[%mul3A_2] : memref<16384xf32, #tpu.memory_space<hbm>> -> memref<512xf32, #tpu.memory_space<hbm>>
    %dma_wait3A_46 = tpu.memref_slice %arg3[%mul3A_2] : memref<16384xf32, #tpu.memory_space<hbm>> -> memref<512xf32, #tpu.memory_space<hbm>>
    tpu.wait_dma2 semaphore(%arg15 : memref<!tpu.dma_semaphore, #tpu.memory_space<semaphore_mem>>) src(%dma_wait3A_46 : memref<512xf32, #tpu.memory_space<hbm>>) dst(%arg10 : memref<512xf32, #tpu.memory_space<vmem>>)
    %dma_wait3A_47 = arith.constant 0 : i32
    %dma_wait3A_48 = tpu.memref_slice %arg5[%dma_wait3A_47] : memref<17xf32, #tpu.memory_space<hbm>> -> memref<16xf32, #tpu.memory_space<hbm>>
    %dma_wait3A_49 = arith.constant 0 : i32
    %dma_wait3A_50 = tpu.memref_slice %arg5[%dma_wait3A_49] : memref<17xf32, #tpu.memory_space<hbm>> -> memref<16xf32, #tpu.memory_space<hbm>>
    tpu.wait_dma2 semaphore(%arg15 : memref<!tpu.dma_semaphore, #tpu.memory_space<semaphore_mem>>) src(%dma_wait3A_50 : memref<16xf32, #tpu.memory_space<hbm>>) dst(%arg12 : memref<16xf32, #tpu.memory_space<vmem>>)
    %dma_wait3A_51 = arith.constant 0 : i32
    %dma_wait3A_52 = tpu.memref_slice %arg13[%dma_wait3A_51] : memref<16xf32, #tpu.memory_space<vmem>> -> memref<1xf32, #tpu.memory_space<vmem>>
    %dma_wait3A_53 = arith.constant 0 : i32
    %dma_wait3A_54 = tpu.memref_slice %arg13[%dma_wait3A_53] : memref<16xf32, #tpu.memory_space<vmem>> -> memref<1xf32, #tpu.memory_space<vmem>>
    tpu.wait_dma2 semaphore(%arg15 : memref<!tpu.dma_semaphore, #tpu.memory_space<semaphore_mem>>) src(%arg6 : memref<1xf32, #tpu.memory_space<hbm>>) dst(%dma_wait3A_54 : memref<1xf32, #tpu.memory_space<vmem>>)
    %get3A = arith.constant 0 : index
    %get3A_55 = tpu.vector_load %arg12[%get3A] {strides = array<i32>} : memref<16xf32, #tpu.memory_space<vmem>>, vector<16xf32>,
    %slice3A = vector.extract_strided_slice %get3A_55 {offsets = [0], sizes = [1], strides = [1]} : vector<16xf32> to vector<1xf32>
    %squeeze3A = vector.extract %slice3A[0] : f32 from vector<1xf32>
    %get3A_56 = arith.constant 0 : index
    %get3A_57 = tpu.vector_load %arg13[%get3A_56] {strides = array<i32>} : memref<16xf32, #tpu.memory_space<vmem>>, vector<16xf32>,
    %slice3A_58 = vector.extract_strided_slice %get3A_57 {offsets = [0], sizes = [1], strides = [1]} : vector<16xf32> to vector<1xf32>
    %squeeze3A_59 = vector.extract %slice3A_58[0] : f32 from vector<1xf32>
    %dma_wait3A_60 = arith.constant 0 : i32
    %dma_wait3A_61 = arith.constant 0 : i32
    %dma_wait3A_62 = tpu.memref_slice %arg9[%dma_wait3A_61] : memref<512xf32, #tpu.memory_space<vmem>> -> memref<128xf32, #tpu.memory_space<vmem>>
    %dma_wait3A_63 = arith.constant 0 : i32
    %dma_wait3A_64 = tpu.memref_slice %arg8[%dma_wait3A_60, %dma_wait3A_63] : memref<4x128xi32, #tpu.memory_space<vmem>> -> memref<1x128xi32, #tpu.memory_space<vmem>>
    %dma_wait3A_65 = tpu.memref_squeeze %dma_wait3A_64 : memref<1x128xi32, #tpu.memory_space<vmem>> -> memref<128xi32, #tpu.memory_space<vmem>>
    %dma_wait3A_66 = arith.constant 0 : i32
    %dma_wait3A_67 = tpu.memref_slice %arg2[%dma_wait3A_66] : memref<1000000xf32, #tpu.memory_space<hbm>> -> memref<1000000xf32, #tpu.memory_space<hbm>>
    tpu.wait_indirect_dma semaphore(%arg14 : memref<!tpu.dma_semaphore, #tpu.memory_space<semaphore_mem>>) src(%dma_wait3A_67 : memref<1000000xf32, #tpu.memory_space<hbm>>) dst(%dma_wait3A_62 : memref<128xf32, #tpu.memory_space<vmem>>)
    %scan3A = arith.constant 0 : i32
    %scan3A_68 = arith.constant 0 : i32
    %scan3A_69 = arith.constant 8 : i32
    %scan3A_70 = arith.addi %scan3A_68, %scan3A_69 : i32
    %scan3A_71 = arith.constant 1 : i32
    scf.for %scan3A_115 = %scan3A_68 to %scan3A_70 step %scan3A_71  : i32 {
      %mul3A_116 = arith.constant 16 : i32
      %mul3A_117 = arith.muli %scan3A_115, %mul3A_116 : i32
      %get3A_118 = arith.index_cast %mul3A_117 : i32 to index
      %get3A_119 = tpu.vector_load %arg9[%get3A_118] {strides = array<i32>} : memref<512xf32, #tpu.memory_space<vmem>>, vector<16xf32>,
      %get3A_120 = arith.index_cast %mul3A_117 : i32 to index
      %get3A_121 = tpu.vector_load %arg10[%get3A_120] {strides = array<i32>} : memref<512xf32, #tpu.memory_space<vmem>>, vector<16xf32>,
      %mul3A_122 = vector.broadcast %squeeze3A : f32 to vector<16xf32>
      %mul3A_123 = arith.mulf %get3A_121, %mul3A_122 : vector<16xf32>
      %add3A_124 = arith.addf %get3A_119, %mul3A_123 : vector<16xf32>
      %add3A_125 = vector.broadcast %squeeze3A_59 : f32 to vector<16xf32>
      %add3A_126 = arith.addf %add3A_124, %add3A_125 : vector<16xf32>
      %swap3A = arith.index_cast %mul3A_117 : i32 to index
      %swap3A_127 = tpu.vector_load %arg11[%swap3A] {strides = array<i32>} : memref<512xf32, #tpu.memory_space<vmem>>, vector<16xf32>,
      tpu.vector_store %arg11[%swap3A], %add3A_126 {strides = array<i32>} : memref<512xf32, #tpu.memory_space<vmem>>, vector<16xf32>,
    }
    %scan3A_72 = arith.constant 8 : i32
    %dma_wait3A_73 = arith.constant 1 : i32
    %dma_wait3A_74 = arith.constant 128 : i32
    %dma_wait3A_75 = tpu.memref_slice %arg9[%dma_wait3A_74] : memref<512xf32, #tpu.memory_space<vmem>> -> memref<128xf32, #tpu.memory_space<vmem>>
    %dma_wait3A_76 = arith.constant 0 : i32
    %dma_wait3A_77 = tpu.memref_slice %arg8[%dma_wait3A_73, %dma_wait3A_76] : memref<4x128xi32, #tpu.memory_space<vmem>> -> memref<1x128xi32, #tpu.memory_space<vmem>>
    %dma_wait3A_78 = tpu.memref_squeeze %dma_wait3A_77 : memref<1x128xi32, #tpu.memory_space<vmem>> -> memref<128xi32, #tpu.memory_space<vmem>>
    %dma_wait3A_79 = arith.constant 0 : i32
    %dma_wait3A_80 = tpu.memref_slice %arg2[%dma_wait3A_79] : memref<1000000xf32, #tpu.memory_space<hbm>> -> memref<1000000xf32, #tpu.memory_space<hbm>>
    tpu.wait_indirect_dma semaphore(%arg14 : memref<!tpu.dma_semaphore, #tpu.memory_space<semaphore_mem>>) src(%dma_wait3A_80 : memref<1000000xf32, #tpu.memory_space<hbm>>) dst(%dma_wait3A_75 : memref<128xf32, #tpu.memory_space<vmem>>)
    %scan3A_81 = arith.constant 0 : i32
    %scan3A_82 = arith.constant 8 : i32
    %scan3A_83 = arith.constant 8 : i32
    %scan3A_84 = arith.addi %scan3A_82, %scan3A_83 : i32
    %scan3A_85 = arith.constant 1 : i32
    scf.for %scan3A_115 = %scan3A_82 to %scan3A_84 step %scan3A_85  : i32 {
      %mul3A_116 = arith.constant 16 : i32
      %mul3A_117 = arith.muli %scan3A_115, %mul3A_116 : i32
      %get3A_118 = arith.index_cast %mul3A_117 : i32 to index
      %get3A_119 = tpu.vector_load %arg9[%get3A_118] {strides = array<i32>} : memref<512xf32, #tpu.memory_space<vmem>>, vector<16xf32>,
      %get3A_120 = arith.index_cast %mul3A_117 : i32 to index
      %get3A_121 = tpu.vector_load %arg10[%get3A_120] {strides = array<i32>} : memref<512xf32, #tpu.memory_space<vmem>>, vector<16xf32>,
      %mul3A_122 = vector.broadcast %squeeze3A : f32 to vector<16xf32>
      %mul3A_123 = arith.mulf %get3A_121, %mul3A_122 : vector<16xf32>
      %add3A_124 = arith.addf %get3A_119, %mul3A_123 : vector<16xf32>
      %add3A_125 = vector.broadcast %squeeze3A_59 : f32 to vector<16xf32>
      %add3A_126 = arith.addf %add3A_124, %add3A_125 : vector<16xf32>
      %swap3A = arith.index_cast %mul3A_117 : i32 to index
      %swap3A_127 = tpu.vector_load %arg11[%swap3A] {strides = array<i32>} : memref<512xf32, #tpu.memory_space<vmem>>, vector<16xf32>,
      tpu.vector_store %arg11[%swap3A], %add3A_126 {strides = array<i32>} : memref<512xf32, #tpu.memory_space<vmem>>, vector<16xf32>,
    }
    %scan3A_86 = arith.constant 8 : i32
    %dma_wait3A_87 = arith.constant 2 : i32
    %dma_wait3A_88 = arith.constant 256 : i32
    %dma_wait3A_89 = tpu.memref_slice %arg9[%dma_wait3A_88] : memref<512xf32, #tpu.memory_space<vmem>> -> memref<128xf32, #tpu.memory_space<vmem>>
    %dma_wait3A_90 = arith.constant 0 : i32
    %dma_wait3A_91 = tpu.memref_slice %arg8[%dma_wait3A_87, %dma_wait3A_90] : memref<4x128xi32, #tpu.memory_space<vmem>> -> memref<1x128xi32, #tpu.memory_space<vmem>>
    %dma_wait3A_92 = tpu.memref_squeeze %dma_wait3A_91 : memref<1x128xi32, #tpu.memory_space<vmem>> -> memref<128xi32, #tpu.memory_space<vmem>>
    %dma_wait3A_93 = arith.constant 0 : i32
    %dma_wait3A_94 = tpu.memref_slice %arg2[%dma_wait3A_93] : memref<1000000xf32, #tpu.memory_space<hbm>> -> memref<1000000xf32, #tpu.memory_space<hbm>>
    tpu.wait_indirect_dma semaphore(%arg14 : memref<!tpu.dma_semaphore, #tpu.memory_space<semaphore_mem>>) src(%dma_wait3A_94 : memref<1000000xf32, #tpu.memory_space<hbm>>) dst(%dma_wait3A_89 : memref<128xf32, #tpu.memory_space<vmem>>)
    %scan3A_95 = arith.constant 0 : i32
    %scan3A_96 = arith.constant 16 : i32
    %scan3A_97 = arith.constant 8 : i32
    %scan3A_98 = arith.addi %scan3A_96, %scan3A_97 : i32
    %scan3A_99 = arith.constant 1 : i32
    scf.for %scan3A_115 = %scan3A_96 to %scan3A_98 step %scan3A_99  : i32 {
      %mul3A_116 = arith.constant 16 : i32
      %mul3A_117 = arith.muli %scan3A_115, %mul3A_116 : i32
      %get3A_118 = arith.index_cast %mul3A_117 : i32 to index
      %get3A_119 = tpu.vector_load %arg9[%get3A_118] {strides = array<i32>} : memref<512xf32, #tpu.memory_space<vmem>>, vector<16xf32>,
      %get3A_120 = arith.index_cast %mul3A_117 : i32 to index
      %get3A_121 = tpu.vector_load %arg10[%get3A_120] {strides = array<i32>} : memref<512xf32, #tpu.memory_space<vmem>>, vector<16xf32>,
      %mul3A_122 = vector.broadcast %squeeze3A : f32 to vector<16xf32>
      %mul3A_123 = arith.mulf %get3A_121, %mul3A_122 : vector<16xf32>
      %add3A_124 = arith.addf %get3A_119, %mul3A_123 : vector<16xf32>
      %add3A_125 = vector.broadcast %squeeze3A_59 : f32 to vector<16xf32>
      %add3A_126 = arith.addf %add3A_124, %add3A_125 : vector<16xf32>
      %swap3A = arith.index_cast %mul3A_117 : i32 to index
      %swap3A_127 = tpu.vector_load %arg11[%swap3A] {strides = array<i32>} : memref<512xf32, #tpu.memory_space<vmem>>, vector<16xf32>,
      tpu.vector_store %arg11[%swap3A], %add3A_126 {strides = array<i32>} : memref<512xf32, #tpu.memory_space<vmem>>, vector<16xf32>,
    }
    %scan3A_100 = arith.constant 8 : i32
    %dma_wait3A_101 = arith.constant 3 : i32
    %dma_wait3A_102 = arith.constant 384 : i32
    %dma_wait3A_103 = tpu.memref_slice %arg9[%dma_wait3A_102] : memref<512xf32, #tpu.memory_space<vmem>> -> memref<128xf32, #tpu.memory_space<vmem>>
    %dma_wait3A_104 = arith.constant 0 : i32
    %dma_wait3A_105 = tpu.memref_slice %arg8[%dma_wait3A_101, %dma_wait3A_104] : memref<4x128xi32, #tpu.memory_space<vmem>> -> memref<1x128xi32, #tpu.memory_space<vmem>>
    %dma_wait3A_106 = tpu.memref_squeeze %dma_wait3A_105 : memref<1x128xi32, #tpu.memory_space<vmem>> -> memref<128xi32, #tpu.memory_space<vmem>>
    %dma_wait3A_107 = arith.constant 0 : i32
    %dma_wait3A_108 = tpu.memref_slice %arg2[%dma_wait3A_107] : memref<1000000xf32, #tpu.memory_space<hbm>> -> memref<1000000xf32, #tpu.memory_space<hbm>>
    tpu.wait_indirect_dma semaphore(%arg14 : memref<!tpu.dma_semaphore, #tpu.memory_space<semaphore_mem>>) src(%dma_wait3A_108 : memref<1000000xf32, #tpu.memory_space<hbm>>) dst(%dma_wait3A_103 : memref<128xf32, #tpu.memory_space<vmem>>)
    %scan3A_109 = arith.constant 0 : i32
    %scan3A_110 = arith.constant 24 : i32
    %scan3A_111 = arith.constant 8 : i32
    %scan3A_112 = arith.addi %scan3A_110, %scan3A_111 : i32
    %scan3A_113 = arith.constant 1 : i32
    scf.for %scan3A_115 = %scan3A_110 to %scan3A_112 step %scan3A_113  : i32 {
      %mul3A_116 = arith.constant 16 : i32
      %mul3A_117 = arith.muli %scan3A_115, %mul3A_116 : i32
      %get3A_118 = arith.index_cast %mul3A_117 : i32 to index
      %get3A_119 = tpu.vector_load %arg9[%get3A_118] {strides = array<i32>} : memref<512xf32, #tpu.memory_space<vmem>>, vector<16xf32>,
      %get3A_120 = arith.index_cast %mul3A_117 : i32 to index
      %get3A_121 = tpu.vector_load %arg10[%get3A_120] {strides = array<i32>} : memref<512xf32, #tpu.memory_space<vmem>>, vector<16xf32>,
      %mul3A_122 = vector.broadcast %squeeze3A : f32 to vector<16xf32>
      %mul3A_123 = arith.mulf %get3A_121, %mul3A_122 : vector<16xf32>
      %add3A_124 = arith.addf %get3A_119, %mul3A_123 : vector<16xf32>
      %add3A_125 = vector.broadcast %squeeze3A_59 : f32 to vector<16xf32>
      %add3A_126 = arith.addf %add3A_124, %add3A_125 : vector<16xf32>
      %swap3A = arith.index_cast %mul3A_117 : i32 to index
      %swap3A_127 = tpu.vector_load %arg11[%swap3A] {strides = array<i32>} : memref<512xf32, #tpu.memory_space<vmem>>, vector<16xf32>,
      tpu.vector_store %arg11[%swap3A], %add3A_126 {strides = array<i32>} : memref<512xf32, #tpu.memory_space<vmem>>, vector<16xf32>,
    }
    %scan3A_114 = arith.constant 8 : i32
    "tpu.region"() ({
      %run_scoped3A = tpu.sem_alloc : memref<!tpu.dma_semaphore, #tpu.memory_space<semaphore_mem>>
      %dma_start3A_115 = tpu.memref_slice %arg7[%mul3A_2] : memref<16384xf32, #tpu.memory_space<hbm>> -> memref<512xf32, #tpu.memory_space<hbm>>
      %dma_start3A_116 = tpu.memref_slice %arg7[%mul3A_2] : memref<16384xf32, #tpu.memory_space<hbm>> -> memref<512xf32, #tpu.memory_space<hbm>>
      tpu.enqueue_dma source(%arg11 : memref<512xf32, #tpu.memory_space<vmem>>) target(%dma_start3A_116 : memref<512xf32, #tpu.memory_space<hbm>>) target_semaphore(%run_scoped3A : memref<!tpu.dma_semaphore, #tpu.memory_space<semaphore_mem>>)
      %dma_wait3A_117 = tpu.memref_slice %arg7[%mul3A_2] : memref<16384xf32, #tpu.memory_space<hbm>> -> memref<512xf32, #tpu.memory_space<hbm>>
      %dma_wait3A_118 = tpu.memref_slice %arg7[%mul3A_2] : memref<16384xf32, #tpu.memory_space<hbm>> -> memref<512xf32, #tpu.memory_space<hbm>>
      tpu.wait_dma2 semaphore(%run_scoped3A : memref<!tpu.dma_semaphore, #tpu.memory_space<semaphore_mem>>) src(%arg11 : memref<512xf32, #tpu.memory_space<vmem>>) dst(%dma_wait3A_118 : memref<512xf32, #tpu.memory_space<hbm>>)
      tpu.yield
    }) : () -> ()
    return
  }
}

module attributes {stable_mosaic.version = 14 : i64} {
  func.func @body(%arg0: i32, %arg1: memref<16x131072xf32, #tpu.memory_space<vmem>>, %arg2: memref<16x1xf32, #tpu.memory_space<vmem>>, %arg3: memref<131072xf32, #tpu.memory_space<vmem>>) attributes {dimension_semantics = [#tpu.dimension_semantics<arbitrary>], iteration_bounds = array<i64: 8>, scalar_prefetch = 0 : i64, scratch_operands = 0 : i64, tpu.core_type = #tpu.core_type<tc>, window_params = [{transform_indices = @transform_0, window_bounds = array<i64: 16, 131072>}, {pipeline_mode = #tpu.pipeline_mode<synchronous>, transform_indices = @transform_1, window_bounds = array<i64: 16, 1>}, {transform_indices = @transform_2, window_bounds = array<i64: 131072>}]} {
    %get3A = arith.constant 0 : index
    %get3A_0 = arith.constant 0 : index
    %get3A_1 = vector.load %arg1[%get3A, %get3A_0] : memref<16x131072xf32, #tpu.memory_space<vmem>>, vector<16x131072xf32>
    %get3A_2 = arith.constant 0 : index
    %get3A_3 = arith.constant 0 : index
    %get3A_4 = vector.load %arg2[%get3A_2, %get3A_3] : memref<16x1xf32, #tpu.memory_space<vmem>>, vector<16x1xf32>
    %mul3A = vector.broadcast %get3A_4 : vector<16x1xf32> to vector<16x131072xf32>
    %mul3A_5 = arith.mulf %get3A_1, %mul3A : vector<16x131072xf32>
    %reduce_sum3A = arith.constant dense<0.000000e+00> : vector<131072xf32>
    %reduce_sum3A_6 = vector.multi_reduction <add>, %mul3A_5, %reduce_sum3A [0] : vector<16x131072xf32> to vector<131072xf32>
    %swap3A = arith.constant 0 : index
    %swap3A_7 = vector.load %arg3[%swap3A] : memref<131072xf32, #tpu.memory_space<vmem>>, vector<131072xf32>
    tpu.vector_store %arg3[%swap3A], %reduce_sum3A_6 {strides = array<i32>} : memref<131072xf32, #tpu.memory_space<vmem>>, vector<131072xf32>,
    return
  }
  func.func @transform_0(%arg0: i32) -> (i32, i32) {
    %c0_i32 = arith.constant 0 : i32
    %c0_i32_0 = arith.constant 0 : i32
    return %c0_i32, %arg0 : i32, i32
  }
  func.func @transform_1(%arg0: i32) -> (i32, i32) {
    %c0_i32 = arith.constant 0 : i32
    %c0_i32_0 = arith.constant 0 : i32
    %c0_i32_1 = arith.constant 0 : i32
    return %c0_i32, %c0_i32_0 : i32, i32
  }
  func.func @transform_2(%arg0: i32) -> i32 {
    %c0_i32 = arith.constant 0 : i32
    return %arg0 : i32
  }
}

</mosaic_0001>

<sc_bundles>
// kernel: kernel.4.cloned.1.call-start
scs
__scs_entry_jumppad:
0x0: {  	(pc) =	sbr.rel $0x88, $3  }
0x1: {  	(tag) =	ssettag $0x0;
	lr =	simm.s32 $0x1  }
0x2: {  	[smem:$0x3F9C] =	sst lr;
	_ =	strace $0xD0000000  }
0x3: {  	_ = 	snop  }
0x4: {  	_ = 	snop  }
0x5: {  	_ = 	snop  }
0x6: {  	_ = 	snop  }
0x7: {  	_ = 	snop  }
__scs_overlays_trampoline_lowered:
0x8: {  	[smem:$0x3FAB] =	sst s0  }
0x9: {  	[smem:$0x3FAC] =	sst s1  }
0xa: {  	[smem:$0x3FAD] =	sst s2  }
0xb: {  	[smem:$0x3FAE] =	sst s3  }
0xc: {  	[smem:$0x3FAF] =	sst s4  }
0xd: {  	[smem:$0x3FB0] =	sst s5  }
0xe: {  	[smem:$0x3FB1] =	sst s6  }
0xf: {  	[smem:$0x3FB2] =	sst s7  }
0x10: {  	[smem:$0x3FB3] =	sst s8  }
0x11: {  	[smem:$0x3FB4] =	sst s9;
	s0 =	simm.s32 @!p0 $0x0  }
0x12: {  	s1 =	sld [smem:$0x3F9A];
	s0 =	simm.s32 @p0 $0x1  }
0x13: {  	[smem:$0x3FB5] =	sst s0;
	s0 =	simm.s32 @!p1 $0x0  }
0x14: {  	s2 =	sld [smem:$0x3F99];
	s0 =	simm.s32 @p1 $0x1  }
0x15: {  	[smem:$0x3FB6] =	sst s0;
	s0 =	simm.s32 @!p2 $0x0  }
0x16: {  	s3 =	sld [smem:$0x3FDB];
	s0 =	simm.s32 @p2 $0x1  }
0x17: {  	s4 =	simm.s32 $0x1BF5;
	[smem:$0x3FB8] =	sst s0  }
0x18: {  	s0 =	sld [smem:$0x3F9B];
	_ =	swait.ge [sflag:s4], $0x0  }
0x19: {  	s7 =	sld [smem:$0x3F9C]  }
0x1a: {  	s8 =	sadd.s32 $0xFFFFE003, lr  }
0x1b: {  	s9 =	sadd.s32 $0xFFFFFEF7, lr;
	s5 =	simm.s32 $0xFFFFFFFF;
	p2 =	slt.u32 s8, $0xFFFFF086  }
0x1c: {  	p1 =	slt.u32 s9, $0xF7A;
	s5 =	simm.s32 @!p2 $0x0  }
0x1d: {  	s5 =	simm.s32 @p1 $0x1;
	p0 =	seq.s32 s7, s2  }
0x1e: {  	s7 =	smul.u32 @!p0 $0xF7A, s2;
	p2 =	seq.s32 @!p0 s5, $0x0  }
0x1f: {  	s9 =	smul.u32 $0xF7A, s1;
	s8 =	simm.s32 @!p0 $0x1BF5;
	p2 =	por !p2, p0  }
0x20: {  	[sflag:s8] =	ssyncset.s32 @!p0 $0xFFFFF086;
	s6 =	sadd.s32 @!p0 s3, s7;
	s7 =	simm.s32 @!p0 $0x108  }
0x21: {  	s3 =	sadd.s32 s3, s9;
	s6 =	sadd.s32 @!p0 $0x88, s6;
	s7 =	simm.s32 @p2 $0x1082  }
0x22: {  	[simem:s7], [sflag:s8] =	dma.local @!p0 [hbm:s6], $0xF7A  }
0x23: {  	s9 =	sor.u32 $0xD0000000, s2;
	s6 =	simm.s32 $0x108;
	_ =	swait.ge @!p0 [sflag:s8], $0x0  }
0x24: {  	s3 =	sadd.s32 $0x88, s3;
	s6 =	simm.s32 @!p1 $0x1082;
	[sflag:s4] =	ssyncset.s32 $0xFFFFF086  }
0x25: {  	[simem:s6], [sflag:s4] =	dma.local [hbm:s3], $0xF7A  }
0x26: {  	[smem:$0x3F9C] =	sst s1;
	(tag) =	ssettag s2;
	_ =	strace s9  }
0x27: {  	s1 =	sld [smem:$0x3FAC]  }
0x28: {  	s2 =	sld [smem:$0x3FAD]  }
0x29: {  	s4 =	sld [smem:$0x3FAF]  }
0x2a: {  	p0 =	seq.s32 s5, $0x0;
	s5 =	sld [smem:$0x3FB0]  }
0x2b: {  	s6 =	sld [smem:$0x3FB1]  }
0x2c: {  	s7 =	sld [smem:$0x3FB2]  }
0x2d: {  	s3 =	simm.s32 $0x108;
	s8 =	sld [smem:$0x3FB3]  }
0x2e: {  	s3 =	simm.s32 @!p0 $0x1082;
	s9 =	sld [smem:$0x3FB4]  }
0x2f: {  	lr =	sadd.s32 s0, s3;
	s0 =	sld [smem:$0x3FAB]  }
0x30: {  	s3 =	sld [smem:$0x3FAE]  }
0x31: {  	[smem:$0x3FB7] =	sst s10  }
0x32: {  	s10 =	sld [smem:$0x3FB5];
	_ =	sdelay $0x3  }
0x33: {  	p0 =	seq.s32 s10, $0x1;
	s10 =	sld [smem:$0x3FB7];
	_ =	sdelay $0x3  }
0x34: {  	[smem:$0x3FB7] =	sst s10  }
0x35: {  	s10 =	sld [smem:$0x3FB6];
	_ =	sdelay $0x3  }
0x36: {  	p1 =	seq.s32 s10, $0x1;
	s10 =	sld [smem:$0x3FB7];
	_ =	sdelay $0x3  }
0x37: {  	[smem:$0x3FB7] =	sst s10  }
0x38: {  	s10 =	sld [smem:$0x3FB8]  }
0x39: {  	_ = 	snop;
	(pc) =	sbr.ind lr, $3  }
0x3a: {  	_ = 	snop  }
0x3b: {  	_ = 	snop  }
0x3c: {  	p2 =	seq.s32 s10, $0x1;
	s10 =	sld [smem:$0x3FB7]  }
0x3d: {  	_ =	shalt  }
0x3e: {  	_ =	shalt  }
0x3f: {  	_ =	shalt  }
0x40: {  	_ =	shalt  }
0x41: {  	_ =	shalt  }
0x42: {  	_ =	shalt  }
0x43: {  	_ =	shalt  }
0x44: {  	_ =	shalt  }
0x45: {  	_ =	shalt  }
0x46: {  	_ =	shalt  }
0x47: {  	_ =	shalt  }
0x48: {  	_ =	shalt  }
0x49: {  	_ =	shalt  }
0x4a: {  	_ =	shalt  }
0x4b: {  	_ =	shalt  }
0x4c: {  	_ =	shalt  }
0x4d: {  	_ =	shalt  }
0x4e: {  	_ =	shalt  }
0x4f: {  	_ =	shalt  }
0x50: {  	_ =	shalt  }
0x51: {  	_ =	shalt  }
0x52: {  	_ =	shalt  }
0x53: {  	_ =	shalt  }
0x54: {  	_ =	shalt  }
0x55: {  	_ =	shalt  }
0x56: {  	_ =	shalt  }
0x57: {  	_ =	shalt  }
0x58: {  	_ =	shalt  }
0x59: {  	_ =	shalt  }
0x5a: {  	_ =	shalt  }
0x5b: {  	_ =	shalt  }
0x5c: {  	_ =	shalt  }
0x5d: {  	_ =	shalt  }
0x5e: {  	_ =	shalt  }
0x5f: {  	_ =	shalt  }
0x60: {  	_ =	shalt  }
0x61: {  	_ =	shalt  }
0x62: {  	_ =	shalt  }
0x63: {  	_ =	shalt  }
0x64: {  	_ =	shalt  }
0x65: {  	_ =	shalt  }
0x66: {  	_ =	shalt  }
0x67: {  	_ =	shalt  }
0x68: {  	_ =	shalt  }
0x69: {  	_ =	shalt  }
0x6a: {  	_ =	shalt  }
0x6b: {  	_ =	shalt  }
0x6c: {  	_ =	shalt  }
0x6d: {  	_ =	shalt  }
0x6e: {  	_ =	shalt  }
0x6f: {  	_ =	shalt  }
0x70: {  	_ =	shalt  }
0x71: {  	_ =	shalt  }
0x72: {  	_ =	shalt  }
0x73: {  	_ =	shalt  }
0x74: {  	_ =	shalt  }
0x75: {  	_ =	shalt  }
0x76: {  	_ =	shalt  }
0x77: {  	_ =	shalt  }
0x78: {  	_ =	shalt  }
0x79: {  	_ =	shalt  }
0x7a: {  	_ =	shalt  }
0x7b: {  	_ =	shalt  }
0x7c: {  	_ =	shalt  }
0x7d: {  	_ =	shalt  }
0x7e: {  	_ =	shalt  }
0x7f: {  	_ =	shalt  }
0x80: {  	_ =	shalt  }
0x81: {  	_ =	shalt  }
0x82: {  	_ =	shalt  }
0x83: {  	_ =	shalt  }
0x84: {  	_ =	shalt  }
0x85: {  	_ =	shalt  }
0x86: {  	_ =	shalt  }
0x87: {  	_ =	shalt  }
.Lfunc_end0:
.L_simem_size_0:
called_computation_lowered:
.L_overlay_start_0:
0x88: {  	s2 =	sld [smem:$0x3FD9]  }
0x89: {  	s3 =	sld [smem:$0x3FFE];
	_ =	sdelay $0x1  }
0x8a: {  	s1 =	srdreg.scid  }
0x8b: {  	s0 =	sand.u32 $0x1, s1  }
0x8c: {  	s17 =	sshll.u32 s0, $0xA;
	s2 =	sadd.s32 s3, s2  }
0x8d: {  	s2 =	sadd.s32 s2, s17  }
0x8e: {  	[smem:$0x3FC3] =	sst s2  }
0x8f: {  	_ = 	snop  }
0x90: {  	s2 =	sld [smem:$0x3FC9]  }
0x91: {  	s18 =	sld [smem:$0x3FC8]  }
0x92: {  	s4 =	sld [smem:$0x3FC6]  }
0x93: {  	s5 =	sld [smem:$0x3FC5]  }
0x94: {  	s6 =	sld [smem:$0x3FD0];
	(tm) =	ssettm $0x1  }
0x95: {  	s7 =	sld [smem:$0x3FFB];
	_ =	sdelay $0x3  }
0x96: {  	_ =	strace s7  }
0x97: {  	s7 =	sld [smem:$0x3FFC];
	_ =	sdelay $0x3  }
0x98: {  	_ =	strace s7  }
0x99: {  	s7 =	sld [smem:$0x3FFD];
	_ =	sdelay $0x3  }
0x9a: {  	_ =	strace s7  }
0x9b: {  	_ =	strace $0x8FFFFFFF  }
0x9c: {  	s19 =	sld [smem:$0x3FDB];
	_ =	sdelay $0x1  }
0x9d: {  	s8 =	simm.s32 $_scs_section_size  }
0x9e: {  	s9 =	simm.s32 $_size__tile_overlayer_lowered;
	s10 =	simm.s32 $_tile_overlayer_lowered  }
0x9f: {  	s22 =	simm.s32 $0x1BFF;
	s21 =	sshll.u32 s10, $0x1;
	s7 =	sadd.s32 s8, s19  }
0xa0: {  	s11 =	simm.s32 $0x0;
	s20 =	sshll.u32 s9, $0x1;
	s9 =	sadd.s32 s21, s7  }
0xa1: {  	[timem:s11], [sflag:s22] =	dma.local [hbm:s9], s20  }
0xa2: {  	_ =	swait.ge [sflag:s22], s20  }
0xa3: {  	s8 =	ssub.s32 $0x0, s20;
	[sflag:s22] =	ssyncset.done $0x0  }
0xa4: {  	[sflag:s22] =	ssyncadd.s32 s8;
	_ =	sdelay $0x1  }
0xa5: {  	s23 =	simm.s32 $0x1B8B  }
0xa6: {  	_ =	swait.ge [sflag:s23], $0x1  }
0xa7: {  	[sflag:s23] =	ssyncset.done $0x0  }
0xa8: {  	s25 =	simm.s32 $0x1B8E;
	s24 =	sld [smem:$0x3FFE];
	[sflag:s23] =	ssyncadd.s32 $0xFFFFFFFF  }
0xa9: {  	s26 =	simm.s32 $execute0_lowered;
	[smem:$0x3FD2] =	sst s25  }
0xaa: {  	s9 =	sshll.u32 s26, $0x1;
	_ =	strace $0x80000046;
	[dreg:$0x1] =	wrdreg $0xFFFFFFFF  }
0xab: {  	s28 =	simm.s32 $_size_execute0_lowered;
	s7 =	sadd.s32 s7, s9;
	[dreg:$0x0] =	wrdreg $0x0  }
0xac: {  	s9 =	sshll.u32 s28, $0x1;
	[dreg:$0x2] =	wrdreg s7  }
0xad: {  	[dreg:$0x3] =	wrdreg s9  }
0xae: {  	[dreg:$0x4] =	wrdreg $0xC0  }
0xaf: {  	_ =	task [dreg:s11], $0x5FFFF  }
0xb0: {  	[dreg:$0x1] =	wrdreg $0xFFFFFFFF  }
0xb1: {  	[dreg:$0x0] =	wrdreg $0x60  }
0xb2: {  	[dreg:$0x2] =	wrdreg s24  }
0xb3: {  	[dreg:$0x3] =	wrdreg s2  }
0xb4: {  	[dreg:$0x4] =	wrdreg s18  }
0xb5: {  	[dreg:$0x5] =	wrdreg s4  }
0xb6: {  	[dreg:$0x6] =	wrdreg s5  }
0xb7: {  	[dreg:$0x7] =	wrdreg s6  }
0xb8: {  	[dreg:$0x8] =	wrdreg $0x9  }
0xb9: {  	_ =	task.clear_ibuf [dreg:s11], $0x9FFFF;
	_ =	strace $0x90000046  }
0xba: {  	s29 =	simm.s32 $0x9;
	_ =	strace $0x80000048  }
0xbb: {  	_ =	swait.ge [sflag:s29], $0x1  }
0xbc: {  	[sflag:s29] =	ssyncadd.s32 $0xFFFFFFFF  }
0xbd: {  	_ =	strace $0x90000048  }
0xbe: {  	_ =	sfence  }
0xbf: {  	s30 =	sld [smem:$0x0];
	_ =	sdelay $0x2  }
0xc0: {  	s31 =	sshll.u32 s1, $0xD;
	s1 =	sshrl.u32 s1, $0x2  }
0xc1: {  	s3 =	sand.u32 $0x4000, s31;
	s1 =	sadd.s32 s1, s30  }
0xc2: {  	s0 =	sor.u32 s3, s0;
	s1 =	sshll.u32 s1, $0x11  }
0xc3: {  	s0 =	sor.u32 s1, s0  }
0xc4: {  	s0 =	sadd.s32 $0x8F2B, s0  }
0xc5: {  	[sflag:s0] =	ssyncadd.remote.s32 $0x1  }
0xc6: {  	_ =	sfence.sel $0xFFFF  }
0xc7: {  	[dreg:$0x0] =	wrdreg $0xFFFFFFFF;
	(pc) =	sbr.abs _section_cstart, $3  }
0xc8: {  	[dreg:$0x1] =	wrdreg $0xFFFFFFFF  }
0xc9: {  	_ =	task.clear_ibuf [dreg:s11], $0x2FFFF;
	_ =	strace $0x9FFFFFFF  }
0xca: {  	(tm) =	ssettm $0x7FFFFFFF  }
0xcb: {  	_ =	shalt  }
tec
execute0_lowered:
.L_overlay_start_1:
0x0: {  	(tag) =	ssettag $0x1  }
0x1: {  	s5 =	rddreg [dreg:$0x0]  }
0x2: {  	s7 =	rddreg [dreg:$0x1]  }
0x3: {  	s6 =	rddreg [dreg:$0x2]  }
0x4: {  	s1 =	rddreg [dreg:$0x3]  }
0x5: {  	s2 =	rddreg [dreg:$0x4]  }
0x6: {  	s8 =	rddreg [dreg:$0x5]  }
0x7: {  	s0 =	rddreg [dreg:$0x6];
	s3 =	simm.s32 $0x0  }
0x8: {  	s4 =	srdreg.scid;
	s13 =	simm.s32 $0x810;
	s14 =	simm.s32 $0x80  }
0x9: {  	s15 =	simm.s32 $0x200;
	s16 =	simm.s32 $0x280;
	s17 =	simm.s32 $0x100  }
0xa: {  	s18 =	simm.s32 $0x300;
	s19 =	simm.s32 $0x180;
	s20 =	simm.s32 $0x380  }
0xb: {  	s21 =	simm.s32 $0x2;
	s22 =	simm.s32 $0x1;
	s23 =	simm.s32 $0x600  }
0xc: {  	[smem:$0x7FF] =	sst s3;
	s9 =	sand.u32 $0x1, s4;
	s4 =	stileid.u32  }
0xd: {  	s5 =	sadd.s32 $0x600, s5;
	_ =	strace $0x80000047;
	s10 =	ssub.s32 $0x2, s9  }
0xe: {  	s12 =	sshll.u32 s4, $0x7;
	s9 =	sshll.u32 s9, $0x6;
	s11 =	sshrl.u32 s10, $0x1  }
0xf: {  	s9 =	sor.u32 s9, s12;
	s12 =	simm.s32 $0x800;
	s10 =	ssub.s32 s10, s11  }
0x10: {  	s6 =	sadd.s32 s6, s9;
	s7 =	sadd.s32 s7, s9;
	s8 =	sadd.s32 s8, s9  }
0x11: {  	s11 =	simm.s32 $0x400;
	s9 =	smax.u32 s10, $0x1;
	s10 =	simm.s32 $0x3  }
.LBB2_1:
0x12: {  	[tilespmem:s3], [sflag:$0x3] =	stream.linear.gather [hbm4b:s6+s3], $0x200, $0x38;
	[tilespmem:$0x820] =	vst v63  }
0x13: {  	_ =	swait.ge [sflag:s10], $0x200  }
0x14: {  	[sflag:s10] =	ssyncset.done $0x0  }
0x15: {  	[sflag:s10] =	ssyncadd.s32 $0xFFFFFE00  }
0x16: {  	[tilespmem:s11], [sflag:$0x2] =	stream.linear.gather [hbm4b:s7+s3], $0x200, $0x38;
	[tilespmem:$0x820] =	vst v63  }
0x17: {  	_ = 	snop  }
0x18: {  	[tilespmem:s12], [sflag:$0x2] =	stream.linear.gather [hbm4b:s1+s3], $0x10, $0x38;
	[tilespmem:$0x820] =	vst v63  }
0x19: {  	_ = 	snop  }
0x1a: {  	[tilespmem:s13], [sflag:$0x2] =	stream.linear.gather [hbm4b:s2+s3], $0x1, $0x38;
	[tilespmem:$0x820] =	vst v63  }
0x1b: {  	_ = 	snop  }
0x1c: {  	[tilespmem:s15], [sflag:$0x1] =	stream.indirect.gather [hbm4b:s5+s14], $0x1, s3, s14, $0xb8;
	[tilespmem:$0x820] =	vst v63  }
0x1d: {  	_ = 	snop  }
0x1e: {  	[tilespmem:s16], [sflag:$0x1] =	stream.indirect.gather [hbm4b:s5+s14], $0x1, s14, s14, $0xb8;
	[tilespmem:$0x820] =	vst v63  }
0x1f: {  	_ = 	snop  }
0x20: {  	[tilespmem:s18], [sflag:$0x1] =	stream.indirect.gather [hbm4b:s5+s14], $0x1, s17, s14, $0xb8;
	[tilespmem:$0x820] =	vst v63  }
0x21: {  	_ = 	snop  }
0x22: {  	[tilespmem:s20], [sflag:$0x1] =	stream.indirect.gather [hbm4b:s5+s14], $0x1, s19, s14, $0xb8;
	[tilespmem:$0x820] =	vst v63  }
0x23: {  	_ =	swait.ge [sflag:s21], $0x200  }
0x24: {  	[sflag:s21] =	ssyncset.done $0x0  }
0x25: {  	[sflag:s21] =	ssyncadd.s32 $0xFFFFFE00  }
0x26: {  	_ =	swait.ge [sflag:s21], $0x10  }
0x27: {  	[sflag:s21] =	ssyncset.done $0x0  }
0x28: {  	[sflag:s21] =	ssyncadd.s32 $0xFFFFFFF0  }
0x29: {  	_ =	swait.ge [sflag:s21], $0x1  }
0x2a: {  	[sflag:s21] =	ssyncset.done $0x0  }
0x2b: {  	[sflag:s21] =	ssyncadd.s32 $0xFFFFFFFF  }
0x2c: {  	v1 =	vld.msk [tilespmem:$0x800 ss:$0x0], $0xffff  }
0x2d: {  	v0 =	vld.msk [tilespmem:$0x810 ss:$0x0], $0xffff;
	_ =	swait.ge [sflag:s22], $0x80  }
0x2e: {  	[sflag:s22] =	ssyncset.done $0x0  }
0x2f: {  	[sflag:s22] =	ssyncadd.s32 $0xFFFFFF80  }
0x30: {  	v2 =	vld [tilespmem:$0x200]  }
0x31: {  	v3 =	vld [tilespmem:$0x400]  }
0x32: {  	v4 =	vld [tilespmem:$0x210]  }
0x33: {  	v5 =	vld [tilespmem:$0x410]  }
0x34: {  	v6 =	vld [tilespmem:$0x220]  }
0x35: {  	v7 =	vld [tilespmem:$0x420]  }
0x36: {  	v8 =	vld [tilespmem:$0x230]  }
0x37: {  	v9 =	vld [tilespmem:$0x430]  }
0x38: {  	v10 =	vld [tilespmem:$0x240]  }
0x39: {  	v11 =	vld [tilespmem:$0x440]  }
0x3a: {  	v12 =	vld [tilespmem:$0x250]  }
0x3b: {  	v13 =	vld [tilespmem:$0x450];
	v3 =	vmul.f32 v3, v1  }
0x3c: {  	v14 =	vld [tilespmem:$0x460];
	v5 =	vmul.f32 v5, v1  }
0x3d: {  	v58 =	vld [tilespmem:$0x470];
	v57 =	vmul.f32 v7, v1;
	v2 =	vadd.f32 v3, v2  }
0x3e: {  	v60 =	vld [tilespmem:$0x260];
	v59 =	vmul.f32 v9, v1;
	v4 =	vadd.f32 v5, v4  }
0x3f: {  	v62 =	vld [tilespmem:$0x270];
	v61 =	vmul.f32 v11, v1;
	v3 =	vadd.f32 v57, v6;
	v2 =	vadd.f32 v2, v0  }
0x40: {  	v63 =	vmul.f32 v13, v1;
	v5 =	vadd.f32 v59, v8;
	v4 =	vadd.f32 v4, v0  }
0x41: {  	v16 =	vmul.f32 v14, v1;
	v15 =	vadd.f32 v61, v10;
	v13 =	vadd.f32 v3, v0;
	[tilespmem:$0x600] =	vst v2  }
0x42: {  	v7 =	vmul.f32 v58, v1;
	v18 =	vadd.f32 v63, v12;
	v17 =	vadd.f32 v5, v0;
	[tilespmem:$0x610] =	vst v4  }
0x43: {  	v20 =	vadd.f32 v16, v60;
	v19 =	vadd.f32 v15, v0;
	[tilespmem:$0x620] =	vst v13  }
0x44: {  	v22 =	vadd.f32 v7, v62;
	v21 =	vadd.f32 v18, v0;
	[tilespmem:$0x630] =	vst v17  }
0x45: {  	v23 =	vadd.f32 v20, v0;
	[tilespmem:$0x640] =	vst v19  }
0x46: {  	v24 =	vadd.f32 v22, v0;
	[tilespmem:$0x650] =	vst v21  }
0x47: {  	[tilespmem:$0x660] =	vst v23  }
0x48: {  	[tilespmem:$0x670] =	vst v24  }
0x49: {  	_ =	swait.ge [sflag:s22], $0x80  }
0x4a: {  	[sflag:s22] =	ssyncset.done $0x0  }
0x4b: {  	[sflag:s22] =	ssyncadd.s32 $0xFFFFFF80  }
0x4c: {  	v25 =	vld [tilespmem:$0x280]  }
0x4d: {  	v26 =	vld [tilespmem:$0x480]  }
0x4e: {  	v27 =	vld [tilespmem:$0x290]  }
0x4f: {  	v28 =	vld [tilespmem:$0x490]  }
0x50: {  	v29 =	vld [tilespmem:$0x2A0]  }
0x51: {  	v30 =	vld [tilespmem:$0x4A0]  }
0x52: {  	v31 =	vld [tilespmem:$0x2B0]  }
0x53: {  	v32 =	vld [tilespmem:$0x4B0]  }
0x54: {  	v33 =	vld [tilespmem:$0x2C0]  }
0x55: {  	v34 =	vld [tilespmem:$0x4C0]  }
0x56: {  	v35 =	vld [tilespmem:$0x2D0]  }
0x57: {  	v36 =	vld [tilespmem:$0x4D0];
	v3 =	vmul.f32 v26, v1  }
0x58: {  	v37 =	vld [tilespmem:$0x4E0];
	v5 =	vmul.f32 v28, v1  }
0x59: {  	v39 =	vld [tilespmem:$0x4F0];
	v38 =	vmul.f32 v30, v1;
	v2 =	vadd.f32 v3, v25  }
0x5a: {  	v41 =	vld [tilespmem:$0x2E0];
	v40 =	vmul.f32 v32, v1;
	v4 =	vadd.f32 v5, v27  }
0x5b: {  	v43 =	vld [tilespmem:$0x2F0];
	v42 =	vmul.f32 v34, v1;
	v3 =	vadd.f32 v38, v29;
	v2 =	vadd.f32 v2, v0  }
0x5c: {  	v44 =	vmul.f32 v36, v1;
	v5 =	vadd.f32 v40, v31;
	v4 =	vadd.f32 v4, v0  }
0x5d: {  	v47 =	vmul.f32 v37, v1;
	v46 =	vadd.f32 v42, v33;
	v45 =	vadd.f32 v3, v0;
	[tilespmem:$0x680] =	vst v2  }
0x5e: {  	v7 =	vmul.f32 v39, v1;
	v49 =	vadd.f32 v44, v35;
	v48 =	vadd.f32 v5, v0;
	[tilespmem:$0x690] =	vst v4  }
0x5f: {  	v51 =	vadd.f32 v47, v41;
	v50 =	vadd.f32 v46, v0;
	[tilespmem:$0x6A0] =	vst v45  }
0x60: {  	v53 =	vadd.f32 v7, v43;
	v52 =	vadd.f32 v49, v0;
	[tilespmem:$0x6B0] =	vst v48  }
0x61: {  	v54 =	vadd.f32 v51, v0;
	[tilespmem:$0x6C0] =	vst v50  }
0x62: {  	v55 =	vadd.f32 v53, v0;
	[tilespmem:$0x6D0] =	vst v52  }
0x63: {  	[tilespmem:$0x6E0] =	vst v54  }
0x64: {  	[tilespmem:$0x6F0] =	vst v55  }
0x65: {  	_ =	swait.ge [sflag:s22], $0x80  }
0x66: {  	[sflag:s22] =	ssyncset.done $0x0  }
0x67: {  	[sflag:s22] =	ssyncadd.s32 $0xFFFFFF80  }
0x68: {  	v56 =	vld [tilespmem:$0x300]  }
0x69: {  	v57 =	vld [tilespmem:$0x500]  }
0x6a: {  	v58 =	vld [tilespmem:$0x310]  }
0x6b: {  	v59 =	vld [tilespmem:$0x510]  }
0x6c: {  	v60 =	vld [tilespmem:$0x320]  }
0x6d: {  	v61 =	vld [tilespmem:$0x520]  }
0x6e: {  	v62 =	vld [tilespmem:$0x330]  }
0x6f: {  	v63 =	vld [tilespmem:$0x530]  }
0x70: {  	v16 =	vld [tilespmem:$0x340]  }
0x71: {  	v17 =	vld [tilespmem:$0x540]  }
0x72: {  	v18 =	vld [tilespmem:$0x350]  }
0x73: {  	v19 =	vld [tilespmem:$0x550];
	v3 =	vmul.f32 v57, v1  }
0x74: {  	v20 =	vld [tilespmem:$0x560];
	v5 =	vmul.f32 v59, v1  }
0x75: {  	v22 =	vld [tilespmem:$0x570];
	v21 =	vmul.f32 v61, v1;
	v2 =	vadd.f32 v3, v56  }
0x76: {  	v24 =	vld [tilespmem:$0x360];
	v23 =	vmul.f32 v63, v1;
	v4 =	vadd.f32 v5, v58  }
0x77: {  	v26 =	vld [tilespmem:$0x370];
	v25 =	vmul.f32 v17, v1;
	v3 =	vadd.f32 v21, v60;
	v2 =	vadd.f32 v2, v0  }
0x78: {  	v27 =	vmul.f32 v19, v1;
	v5 =	vadd.f32 v23, v62;
	v4 =	vadd.f32 v4, v0  }
0x79: {  	v30 =	vmul.f32 v20, v1;
	v29 =	vadd.f32 v25, v16;
	v28 =	vadd.f32 v3, v0;
	[tilespmem:$0x700] =	vst v2  }
0x7a: {  	v7 =	vmul.f32 v22, v1;
	v32 =	vadd.f32 v27, v18;
	v31 =	vadd.f32 v5, v0;
	[tilespmem:$0x710] =	vst v4  }
0x7b: {  	v34 =	vadd.f32 v30, v24;
	v33 =	vadd.f32 v29, v0;
	[tilespmem:$0x720] =	vst v28  }
0x7c: {  	v36 =	vadd.f32 v7, v26;
	v35 =	vadd.f32 v32, v0;
	[tilespmem:$0x730] =	vst v31  }
0x7d: {  	v37 =	vadd.f32 v34, v0;
	[tilespmem:$0x740] =	vst v33  }
0x7e: {  	v38 =	vadd.f32 v36, v0;
	[tilespmem:$0x750] =	vst v35  }
0x7f: {  	[tilespmem:$0x760] =	vst v37  }
0x80: {  	[tilespmem:$0x770] =	vst v38  }
0x81: {  	_ =	swait.ge [sflag:s22], $0x80  }
0x82: {  	[sflag:s22] =	ssyncset.done $0x0  }
0x83: {  	[sflag:s22] =	ssyncadd.s32 $0xFFFFFF80  }
0x84: {  	v39 =	vld [tilespmem:$0x380]  }
0x85: {  	v40 =	vld [tilespmem:$0x580]  }
0x86: {  	v41 =	vld [tilespmem:$0x390]  }
0x87: {  	v42 =	vld [tilespmem:$0x590]  }
0x88: {  	v43 =	vld [tilespmem:$0x3A0]  }
0x89: {  	v44 =	vld [tilespmem:$0x5A0]  }
0x8a: {  	v45 =	vld [tilespmem:$0x3B0]  }
0x8b: {  	v46 =	vld [tilespmem:$0x5B0]  }
0x8c: {  	v47 =	vld [tilespmem:$0x3C0]  }
0x8d: {  	v48 =	vld [tilespmem:$0x5C0]  }
0x8e: {  	v51 =	vld [tilespmem:$0x5E0]  }
0x8f: {  	v50 =	vld [tilespmem:$0x5D0];
	v3 =	vmul.f32 v40, v1  }
0x90: {  	v55 =	vld [tilespmem:$0x3E0];
	v5 =	vmul.f32 v42, v1  }
0x91: {  	v53 =	vld [tilespmem:$0x5F0];
	v52 =	vmul.f32 v44, v1;
	v2 =	vadd.f32 v3, v39  }
0x92: {  	v49 =	vld [tilespmem:$0x3D0];
	v54 =	vmul.f32 v46, v1;
	v4 =	vadd.f32 v5, v41  }
0x93: {  	v57 =	vld [tilespmem:$0x3F0];
	v60 =	vmul.f32 v51, v1;
	v3 =	vadd.f32 v52, v43;
	v2 =	vadd.f32 v2, v0  }
0x94: {  	v56 =	vmul.f32 v48, v1;
	v5 =	vadd.f32 v54, v45;
	v4 =	vadd.f32 v4, v0  }
0x95: {  	v58 =	vmul.f32 v50, v1;
	v62 =	vadd.f32 v60, v55;
	v3 =	vadd.f32 v3, v0;
	[tilespmem:$0x780] =	vst v2  }
0x96: {  	v1 =	vmul.f32 v53, v1;
	v59 =	vadd.f32 v56, v47;
	v5 =	vadd.f32 v5, v0;
	[tilespmem:$0x790] =	vst v4  }
0x97: {  	v61 =	vadd.f32 v58, v49;
	v63 =	vadd.f32 v62, v0;
	[tilespmem:$0x7A0] =	vst v3  }
0x98: {  	v1 =	vadd.f32 v1, v57;
	v2 =	vadd.f32 v59, v0;
	[tilespmem:$0x7B0] =	vst v5  }
0x99: {  	v4 =	vadd.f32 v61, v0;
	[tilespmem:$0x7E0] =	vst v63  }
0x9a: {  	v0 =	vadd.f32 v1, v0;
	[tilespmem:$0x7C0] =	vst v2  }
0x9b: {  	p0 =	sne.s32 s9, $0x1;
	[tilespmem:$0x7D0] =	vst v4  }
.Ltmp0:
0x9c: {  	[tilespmem:$0x7F0] =	vst v0;
	(pc) =	sbr.rel @p0 .LBB2_1-.Ltmp0, $4  }
0x9d: {  	[hbm4b:s8+s3] =	stream.linear.scatter [tilespmem:s23], [sflag:$0x3], $0x200, $0x38;
	[tilespmem:$0x820] =	vst v63  }
0x9e: {  	_ =	swait.ge [sflag:s10], $0x200  }
0x9f: {  	[sflag:s10] =	ssyncset.done $0x0  }
0xa0: {  	s9 =	sadd.s32 $0xFFFFFFFF, s9;
	[sflag:s10] =	ssyncadd.s32 $0xFFFFFE00  }
0xa1: {  	_ =	sfence.sel $0x180000  }
0xa2: {  	[bflag:$0x0] =	sbarrier.arrive $0xFFFF  }
0xa3: {  	p0 =	sne.s32 s4, $0x0;
	_ =	strace $0x90000047  }
0xa4: {  	s0 =	sadd.s32 @!p0 $0x100000, s0;
	[bflag:$0x2] =	sbarrier.arrive $0xFFFF  }
0xa5: {  	[sflag:s0] =	ssyncadd.tile.s32 @!p0 $0x1;
	_ =	shalt  }
.Lfunc_end2:
_tile_overlayer_lowered:
.L_overlay_start_2:
0xa6: {  	(tag) =	ssettag $0x2  }
0xa7: {  	s0 =	rddreg [dreg:$0x0];
	s2 =	stileid.u32  }
0xa8: {  	s1 =	rddreg [dreg:$0x1];
	p0 =	sne.s32 s2, $0x0  }
0xa9: {  	s3 =	rddreg [dreg:$0x2];
	[bflag:$0x3] =	sbarrier.arrive $0xFFFF;
	s2 =	simm.s32 @!p0 $0x1C03  }
0xaa: {  	[timem:s3], [sflag:s2] =	dma.local @!p0 [hbm:s0], s1  }
0xab: {  	s0 =	simm.s32 @!p0 $0x3  }
0xac: {  	_ =	swait.ge @!p0 [sflag:s0], s1  }
0xad: {  	s1 =	ssub.s32 @!p0 $0x0, s1;
	[sflag:s0] =	ssyncset.done @!p0 $0x0  }
0xae: {  	[sflag:s0] =	ssyncadd.s32 @!p0 s1  }
0xaf: {  	[bflag:$0x3] =	sbarrier.arrive $0xFFFF  }
0xb0: {  	_ =	shalt  }

</sc_bundles>
